<compile_context>
chip_gen: v7x
topology: tpu7x:2x2x1
jax: 0.10.2.dev20260603
libtpu: 0.0.44.dev20260713+nightly
codegen_flags: <defaults>
</compile_context>

<pallas_src>
import functools

import jax
import jax.numpy as jnp
from jax import lax
from jax.experimental import pallas as pl
from jax.experimental.pallas import tpu as pltpu
from jax.experimental.pallas import tpu_sc as plsc

VOCAB = 100000
ENT_DIM = 512
OUT_DIM = 128
POS_PAD = 16
RPB = 5000
N_IDS = 32 * 128 * 30

NC, NS = 2, 16
NW = NC * NS
CH = 128
PER_W = N_IDS // NW
NCH = PER_W // CH
IDX_ROWS = 40
IDS_ROWS_PAD = 968


def _proj_body(et_ref, pidx_ref, ptab_ref, w1t_ref, w2t_ref, b_ref, out_ref):
    acc = jnp.dot(et_ref[...], w1t_ref[...], preferred_element_type=jnp.float32)
    pp = jnp.dot(ptab_ref[...], w2t_ref[...], preferred_element_type=jnp.float32)
    pid = pidx_ref[0, 0, :]
    onehot = (pid[:, None] == lax.broadcasted_iota(jnp.int32, (RPB, POS_PAD), 1)
              ).astype(jnp.float32)
    out_ref[...] = acc + jnp.dot(onehot, pp, preferred_element_type=jnp.float32) + b_ref[...]


def _gather_body(proj_hbm, ids_hbm, out_hbm, idx_v,
                 rows0, rows1, rows2, sg0, sg1, sg2, sw0, sw1, sw2):
    wid = lax.axis_index("s") * NC + lax.axis_index("c")
    start_row = wid * NCH
    slab = pl.multiple_of(8 * (start_row // 8), 8)
    off = start_row - slab
    pltpu.sync_copy(ids_hbm.at[pl.ds(slab, IDX_ROWS)], idx_v)
    out_base = wid * PER_W
    rows = (rows0, rows1, rows2)
    sg = (sg0, sg1, sg2)
    sw = (sw0, sw1, sw2)

    def gather_start(j, q):
        pltpu.async_copy(proj_hbm.at[idx_v.at[off + j]], rows[q], sg[q])

    def gather_wait(j, q):
        pltpu.make_async_copy(proj_hbm.at[idx_v.at[off + j]], rows[q], sg[q]).wait()

    def write_start(j, q):
        dst = pl.multiple_of(out_base + j * CH, 8)
        pltpu.async_copy(rows[q], out_hbm.at[pl.ds(dst, CH)], sw[q])

    def write_wait(q):
        pltpu.make_async_copy(rows[q], out_hbm.at[pl.ds(out_base, CH)], sw[q]).wait()

    for q in range(3):
        gather_start(q, q)

    @pl.loop(0, NCH // 3 - 1)
    def _(g):
        j0 = 3 * g
        for q in range(3):
            j = j0 + q
            gather_wait(j, q)
            write_start(j, q)
            write_wait(q)
            gather_start(j + 3, q)

    for q in range(3):
        j = NCH - 3 + q
        gather_wait(j, q)
        write_start(j, q)
    for q in range(3):
        write_wait(q)


@functools.lru_cache(maxsize=None)
def _make_gather():
    mesh = plsc.VectorSubcoreMesh(
        core_axis_name="c", subcore_axis_name="s", num_cores=NC, num_subcores=NS)
    return pl.kernel(
        _gather_body,
        out_type=jax.ShapeDtypeStruct((N_IDS, OUT_DIM), jnp.float32),
        mesh=mesh,
        scratch_types=[
            pltpu.VMEM((IDX_ROWS, CH), jnp.int32),
            pltpu.VMEM((CH, OUT_DIM), jnp.float32),
            pltpu.VMEM((CH, OUT_DIM), jnp.float32),
            pltpu.VMEM((CH, OUT_DIM), jnp.float32),
            pltpu.SemaphoreType.DMA,
            pltpu.SemaphoreType.DMA,
            pltpu.SemaphoreType.DMA,
            pltpu.SemaphoreType.DMA,
            pltpu.SemaphoreType.DMA,
            pltpu.SemaphoreType.DMA,
        ],
    )


def kernel(entity_ids, entity_table, pos_table, entity_id_to_pos_index, W, b):
    w1t = W[:, :ENT_DIM].T
    w2t_pad = jnp.zeros((OUT_DIM, OUT_DIM), jnp.float32).at[
        : W.shape[1] - ENT_DIM, :].set(W[:, ENT_DIM:].T)
    ptab_pad = jnp.zeros((POS_PAD, OUT_DIM), jnp.float32).at[
        :, : pos_table.shape[1]].set(pos_table[:POS_PAD])
    pidx3d = entity_id_to_pos_index.reshape(VOCAB // RPB, 1, RPB).astype(jnp.int32)
    b2d = b.reshape(1, OUT_DIM)

    proj = pl.pallas_call(
        _proj_body,
        grid=(VOCAB // RPB,),
        in_specs=[
            pl.BlockSpec((RPB, ENT_DIM), lambda i: (i, 0)),
            pl.BlockSpec((1, 1, RPB), lambda i: (i, 0, 0)),
            pl.BlockSpec((POS_PAD, OUT_DIM), lambda i: (0, 0)),
            pl.BlockSpec((ENT_DIM, OUT_DIM), lambda i: (0, 0)),
            pl.BlockSpec((OUT_DIM, OUT_DIM), lambda i: (0, 0)),
            pl.BlockSpec((1, OUT_DIM), lambda i: (0, 0)),
        ],
        out_specs=pl.BlockSpec((RPB, OUT_DIM), lambda i: (i, 0)),
        out_shape=jax.ShapeDtypeStruct((VOCAB, OUT_DIM), jnp.float32),
    )(entity_table, pidx3d, ptab_pad, w1t, w2t_pad, b2d)

    nb, nc_, ne = entity_ids.shape
    ids_perm = entity_ids.transpose(0, 2, 1).reshape(-1).astype(jnp.int32)
    ids2d = jnp.pad(ids_perm.reshape(NW * NCH, CH),
                    ((0, IDS_ROWS_PAD - NW * NCH), (0, 0)))
    flat = _make_gather()(proj, ids2d)
    return flat.reshape(nb, ne, nc_, OUT_DIM).transpose(0, 2, 1, 3)

# --- scband reference (transcript-rebuilt; emitter-appended) ---
"""Pipeline reference for scband-word-net-all-embedding-27960237097278 (READ-ONLY COPY).

The authoritative reference and input builder live on the scoring server;
editing this copy changes nothing except your own understanding.
"""

import jax, jax.numpy as jnp
import numpy as np

VOCAB = 100000
ENT_EMB_DIM = 512
POS_DIM = 25
ENTITY_DIM = 128
N_POS = 9


def setup_inputs(seed: int = 0) -> dict:
    key = jax.random.key(seed)
    k1, k2, k3, k4, k5 = jax.random.split(key, 5)
    entity_ids = jax.random.randint(k1, (32, 128, 30), 0, VOCAB, dtype=jnp.int64 if jax.config.jax_enable_x64 else jnp.int32)
    # pretrained fixed entity embeddings (padding_idx=0 row is zeros)
    entity_table = jax.random.normal(k2, (VOCAB, ENT_EMB_DIM), dtype=jnp.float32) * 0.02
    entity_table = entity_table.at[0].set(0.0)
    # pos_embeddings is declared as Embedding(len(entities), pos_dim) in the original
    # (only rows 0..8 ever indexed) -- kept faithful
    pos_table = jax.random.normal(k3, (VOCAB, POS_DIM), dtype=jnp.float32) * 0.02
    entity_id_to_pos_index = jax.random.randint(k4, (VOCAB,), 0, N_POS, dtype=jnp.int32)
    kW, kb = jax.random.split(k5)
    W = jax.random.normal(kW, (ENTITY_DIM, ENT_EMB_DIM + POS_DIM), dtype=jnp.float32) * 0.02
    b = jnp.zeros((ENTITY_DIM,), dtype=jnp.float32)
    return {
        "entity_ids": entity_ids,
        "entity_table": entity_table,
        "pos_table": pos_table,
        "entity_id_to_pos_index": entity_id_to_pos_index,
        "W": W,
        "b": b,
    }


def reference(entity_ids, entity_table, pos_table, entity_id_to_pos_index, W, b):
    # unique ids + inverse map (inverse may come back flattened depending on numpy semantics)
    unique_ids, inv = jnp.unique(entity_ids, return_inverse=True, size=entity_ids.size, fill_value=0)
    inv = inv.reshape(entity_ids.shape)
    # gather pretrained entity embeddings for unique ids
    unique_entity_embeddings = jnp.take(entity_table, unique_ids, axis=0)
    # POS id lookup then POS embedding lookup
    unique_pos_ids = jnp.take(entity_id_to_pos_index, unique_ids, axis=0)
    unique_pos_embeddings = jnp.take(pos_table, unique_pos_ids, axis=0)
    entity_and_pos = jnp.concatenate([unique_entity_embeddings, unique_pos_embeddings], axis=-1)
    # linear projection (dropout is identity in eval mode)
    projected = entity_and_pos @ W.T + b
    # remap unique rows back to (batch, num_candidates, num_entities, entity_dim)
    return jnp.take(projected, inv, axis=0)

if __name__ == "__main__":
    import jax
    _d = setup_inputs()
    print(jax.jit(kernel)(*tuple(_d.values())))

</pallas_src>

<mosaic_0001>
#map = affine_map<(d0, d1) -> (0, 0)>
module attributes {stable_mosaic.version = 14 : i64} {
  func.func @_gather_body(%arg0: i32, %arg1: i32, %arg2: memref<100000x128xf32, #tpu.memory_space<hbm>>, %arg3: memref<968x128xi32, #tpu.memory_space<hbm>>, %arg4: memref<122880x128xf32, #tpu.memory_space<hbm>>, %arg5: memref<40x128xi32, #tpu.memory_space<vmem>>, %arg6: memref<128x128xf32, #tpu.memory_space<vmem>>, %arg7: memref<128x128xf32, #tpu.memory_space<vmem>>, %arg8: memref<128x128xf32, #tpu.memory_space<vmem>>, %arg9: memref<!tpu.dma_semaphore, #tpu.memory_space<semaphore_mem>>, %arg10: memref<!tpu.dma_semaphore, #tpu.memory_space<semaphore_mem>>, %arg11: memref<!tpu.dma_semaphore, #tpu.memory_space<semaphore_mem>>, %arg12: memref<!tpu.dma_semaphore, #tpu.memory_space<semaphore_mem>>, %arg13: memref<!tpu.dma_semaphore, #tpu.memory_space<semaphore_mem>>, %arg14: memref<!tpu.dma_semaphore, #tpu.memory_space<semaphore_mem>>) attributes {dimension_semantics = [#tpu.dimension_semantics<core_parallel>, #tpu.dimension_semantics<subcore_parallel>], iteration_bounds = array<i64: 2, 16>, scalar_prefetch = 0 : i64, scratch_operands = 10 : i64, tpu.core_type = #tpu.core_type<sc_vector_subcore>, window_params = [{transform_indices = #map}, {transform_indices = #map}, {transform_indices = #map}]} {
    %mul3A = arith.constant 2 : i32
    %mul3A_0 = arith.muli %arg1, %mul3A : i32
    %add3A = arith.addi %mul3A_0, %arg0 : i32
    %mul3A_1 = arith.constant 30 : i32
    %mul3A_2 = arith.muli %add3A, %mul3A_1 : i32
    %jit3A = arith.constant 8 : i32
    %div3A = arith.divsi %mul3A_2, %jit3A : i32
    %sign3A = arith.constant 0 : i32
    %sign3A_3 = arith.cmpi sgt, %mul3A_2, %sign3A : i32
    %sign3A_4 = arith.extui %sign3A_3 : i1 to i32
    %sign3A_5 = arith.constant 0 : i32
    %sign3A_6 = arith.cmpi slt, %mul3A_2, %sign3A_5 : i32
    %sign3A_7 = arith.extui %sign3A_6 : i1 to i32
    %sign3A_8 = arith.subi %sign3A_4, %sign3A_7 : i32
    %sign3A_9 = arith.constant 0 : i32
    %sign3A_10 = arith.cmpi sgt, %jit3A, %sign3A_9 : i32
    %sign3A_11 = arith.extui %sign3A_10 : i1 to i32
    %sign3A_12 = arith.constant 0 : i32
    %sign3A_13 = arith.cmpi slt, %jit3A, %sign3A_12 : i32
    %sign3A_14 = arith.extui %sign3A_13 : i1 to i32
    %sign3A_15 = arith.subi %sign3A_11, %sign3A_14 : i32
    %ne3A = arith.cmpi ne, %sign3A_8, %sign3A_15 : i32
    %rem3A = arith.remsi %mul3A_2, %jit3A : i32
    %ne3A_16 = arith.constant 0 : i32
    %ne3A_17 = arith.cmpi ne, %rem3A, %ne3A_16 : i32
    %and3A = arith.andi %ne3A, %ne3A_17 : i1
    %sub3A = arith.constant 1 : i32
    %sub3A_18 = arith.subi %div3A, %sub3A : i32
    %select_n3A = arith.select %and3A, %sub3A_18, %div3A : i32
    %mul3A_19 = arith.constant 8 : i32
    %mul3A_20 = arith.muli %mul3A_19, %select_n3A : i32
    %multiple_of3A = tpu.assume_multiple %mul3A_20, 8 : i32
    %sub3A_21 = arith.subi %mul3A_2, %multiple_of3A : i32
    "tpu.region"() ({
      %run_scoped3A = tpu.sem_alloc : memref<!tpu.dma_semaphore, #tpu.memory_space<semaphore_mem>>
      %dma_start3A_107 = arith.constant 0 : i32
      %dma_start3A_108 = tpu.memref_slice %arg3[%multiple_of3A, %dma_start3A_107] : memref<968x128xi32, #tpu.memory_space<hbm>> -> memref<40x128xi32, #tpu.memory_space<hbm>>
      %dma_start3A_109 = arith.constant 0 : i32
      %dma_start3A_110 = tpu.memref_slice %arg3[%multiple_of3A, %dma_start3A_109] : memref<968x128xi32, #tpu.memory_space<hbm>> -> memref<40x128xi32, #tpu.memory_space<hbm>>
      tpu.enqueue_dma source(%dma_start3A_110 : memref<40x128xi32, #tpu.memory_space<hbm>>) target(%arg5 : memref<40x128xi32, #tpu.memory_space<vmem>>) target_semaphore(%run_scoped3A : memref<!tpu.dma_semaphore, #tpu.memory_space<semaphore_mem>>)
      %dma_wait3A_111 = arith.constant 0 : i32
      %dma_wait3A_112 = tpu.memref_slice %arg3[%multiple_of3A, %dma_wait3A_111] : memref<968x128xi32, #tpu.memory_space<hbm>> -> memref<40x128xi32, #tpu.memory_space<hbm>>
      %dma_wait3A_113 = arith.constant 0 : i32
      %dma_wait3A_114 = tpu.memref_slice %arg3[%multiple_of3A, %dma_wait3A_113] : memref<968x128xi32, #tpu.memory_space<hbm>> -> memref<40x128xi32, #tpu.memory_space<hbm>>
      tpu.wait_dma2 semaphore(%run_scoped3A : memref<!tpu.dma_semaphore, #tpu.memory_space<semaphore_mem>>) src(%dma_wait3A_114 : memref<40x128xi32, #tpu.memory_space<hbm>>) dst(%arg5 : memref<40x128xi32, #tpu.memory_space<vmem>>)
      tpu.yield
    }) : () -> ()
    %mul3A_22 = arith.constant 3840 : i32
    %mul3A_23 = arith.muli %add3A, %mul3A_22 : i32
    %add3A_24 = arith.constant 0 : i32
    %add3A_25 = arith.addi %sub3A_21, %add3A_24 : i32
    %dma_start3A = arith.constant 0 : i32
    %dma_start3A_26 = tpu.memref_slice %arg5[%add3A_25, %dma_start3A] : memref<40x128xi32, #tpu.memory_space<vmem>> -> memref<1x128xi32, #tpu.memory_space<vmem>>
    %dma_start3A_27 = tpu.memref_squeeze %dma_start3A_26 : memref<1x128xi32, #tpu.memory_space<vmem>> -> memref<128xi32, #tpu.memory_space<vmem>>
    %dma_start3A_28 = arith.constant 0 : i32
    %dma_start3A_29 = arith.constant 0 : i32
    %dma_start3A_30 = tpu.memref_slice %arg2[%dma_start3A_28, %dma_start3A_29] : memref<100000x128xf32, #tpu.memory_space<hbm>> -> memref<100000x128xf32, #tpu.memory_space<hbm>>
    tpu.enqueue_indirect_dma source(%dma_start3A_30 : memref<100000x128xf32, #tpu.memory_space<hbm>>) target(%arg6 : memref<128x128xf32, #tpu.memory_space<vmem>>) offsets(%dma_start3A_27 : memref<128xi32, #tpu.memory_space<vmem>>) semaphore(%arg9 : memref<!tpu.dma_semaphore, #tpu.memory_space<semaphore_mem>>)
    %add3A_31 = arith.constant 1 : i32
    %add3A_32 = arith.addi %sub3A_21, %add3A_31 : i32
    %dma_start3A_33 = arith.constant 0 : i32
    %dma_start3A_34 = tpu.memref_slice %arg5[%add3A_32, %dma_start3A_33] : memref<40x128xi32, #tpu.memory_space<vmem>> -> memref<1x128xi32, #tpu.memory_space<vmem>>
    %dma_start3A_35 = tpu.memref_squeeze %dma_start3A_34 : memref<1x128xi32, #tpu.memory_space<vmem>> -> memref<128xi32, #tpu.memory_space<vmem>>
    %dma_start3A_36 = arith.constant 0 : i32
    %dma_start3A_37 = arith.constant 0 : i32
    %dma_start3A_38 = tpu.memref_slice %arg2[%dma_start3A_36, %dma_start3A_37] : memref<100000x128xf32, #tpu.memory_space<hbm>> -> memref<100000x128xf32, #tpu.memory_space<hbm>>
    tpu.enqueue_indirect_dma source(%dma_start3A_38 : memref<100000x128xf32, #tpu.memory_space<hbm>>) target(%arg7 : memref<128x128xf32, #tpu.memory_space<vmem>>) offsets(%dma_start3A_35 : memref<128xi32, #tpu.memory_space<vmem>>) semaphore(%arg10 : memref<!tpu.dma_semaphore, #tpu.memory_space<semaphore_mem>>)
    %add3A_39 = arith.constant 2 : i32
    %add3A_40 = arith.addi %sub3A_21, %add3A_39 : i32
    %dma_start3A_41 = arith.constant 0 : i32
    %dma_start3A_42 = tpu.memref_slice %arg5[%add3A_40, %dma_start3A_41] : memref<40x128xi32, #tpu.memory_space<vmem>> -> memref<1x128xi32, #tpu.memory_space<vmem>>
    %dma_start3A_43 = tpu.memref_squeeze %dma_start3A_42 : memref<1x128xi32, #tpu.memory_space<vmem>> -> memref<128xi32, #tpu.memory_space<vmem>>
    %dma_start3A_44 = arith.constant 0 : i32
    %dma_start3A_45 = arith.constant 0 : i32
    %dma_start3A_46 = tpu.memref_slice %arg2[%dma_start3A_44, %dma_start3A_45] : memref<100000x128xf32, #tpu.memory_space<hbm>> -> memref<100000x128xf32, #tpu.memory_space<hbm>>
    tpu.enqueue_indirect_dma source(%dma_start3A_46 : memref<100000x128xf32, #tpu.memory_space<hbm>>) target(%arg8 : memref<128x128xf32, #tpu.memory_space<vmem>>) offsets(%dma_start3A_43 : memref<128xi32, #tpu.memory_space<vmem>>) semaphore(%arg11 : memref<!tpu.dma_semaphore, #tpu.memory_space<semaphore_mem>>)
    %scan3A = arith.constant 0 : i32
    %scan3A_47 = arith.constant 9 : i32
    %scan3A_48 = arith.addi %scan3A, %scan3A_47 : i32
    %scan3A_49 = arith.constant 1 : i32
    scf.for %scan3A_107 = %scan3A to %scan3A_48 step %scan3A_49  : i32 {
      %mul3A_108 = arith.constant 1 : i32
      %mul3A_109 = arith.muli %scan3A_107, %mul3A_108 : i32
      %add3A_110 = arith.constant 0 : i32
      %add3A_111 = arith.addi %add3A_110, %mul3A_109 : i32
      %mul3A_112 = arith.constant 3 : i32
      %mul3A_113 = arith.muli %mul3A_112, %add3A_111 : i32
      %add3A_114 = arith.constant 0 : i32
      %add3A_115 = arith.addi %mul3A_113, %add3A_114 : i32
      %add3A_116 = arith.addi %sub3A_21, %add3A_115 : i32
      %dma_wait3A_117 = arith.constant 0 : i32
      %dma_wait3A_118 = tpu.memref_slice %arg5[%add3A_116, %dma_wait3A_117] : memref<40x128xi32, #tpu.memory_space<vmem>> -> memref<1x128xi32, #tpu.memory_space<vmem>>
      %dma_wait3A_119 = tpu.memref_squeeze %dma_wait3A_118 : memref<1x128xi32, #tpu.memory_space<vmem>> -> memref<128xi32, #tpu.memory_space<vmem>>
      %dma_wait3A_120 = arith.constant 0 : i32
      %dma_wait3A_121 = arith.constant 0 : i32
      %dma_wait3A_122 = tpu.memref_slice %arg2[%dma_wait3A_120, %dma_wait3A_121] : memref<100000x128xf32, #tpu.memory_space<hbm>> -> memref<100000x128xf32, #tpu.memory_space<hbm>>
      tpu.wait_indirect_dma semaphore(%arg9 : memref<!tpu.dma_semaphore, #tpu.memory_space<semaphore_mem>>) src(%dma_wait3A_122 : memref<100000x128xf32, #tpu.memory_space<hbm>>) dst(%arg6 : memref<128x128xf32, #tpu.memory_space<vmem>>)
      %mul3A_123 = arith.constant 128 : i32
      %mul3A_124 = arith.muli %add3A_115, %mul3A_123 : i32
      %add3A_125 = arith.addi %mul3A_23, %mul3A_124 : i32
      %multiple_of3A_126 = tpu.assume_multiple %add3A_125, 8 : i32
      %dma_start3A_127 = arith.constant 0 : i32
      %dma_start3A_128 = tpu.memref_slice %arg4[%multiple_of3A_126, %dma_start3A_127] : memref<122880x128xf32, #tpu.memory_space<hbm>> -> memref<128x128xf32, #tpu.memory_space<hbm>>
      %dma_start3A_129 = arith.constant 0 : i32
      %dma_start3A_130 = tpu.memref_slice %arg4[%multiple_of3A_126, %dma_start3A_129] : memref<122880x128xf32, #tpu.memory_space<hbm>> -> memref<128x128xf32, #tpu.memory_space<hbm>>
      tpu.enqueue_dma source(%arg6 : memref<128x128xf32, #tpu.memory_space<vmem>>) target(%dma_start3A_130 : memref<128x128xf32, #tpu.memory_space<hbm>>) target_semaphore(%arg12 : memref<!tpu.dma_semaphore, #tpu.memory_space<semaphore_mem>>)
      %dma_wait3A_131 = arith.constant 0 : i32
      %dma_wait3A_132 = tpu.memref_slice %arg4[%mul3A_23, %dma_wait3A_131] : memref<122880x128xf32, #tpu.memory_space<hbm>> -> memref<128x128xf32, #tpu.memory_space<hbm>>
      %dma_wait3A_133 = arith.constant 0 : i32
      %dma_wait3A_134 = tpu.memref_slice %arg4[%mul3A_23, %dma_wait3A_133] : memref<122880x128xf32, #tpu.memory_space<hbm>> -> memref<128x128xf32, #tpu.memory_space<hbm>>
      tpu.wait_dma2 semaphore(%arg12 : memref<!tpu.dma_semaphore, #tpu.memory_space<semaphore_mem>>) src(%arg6 : memref<128x128xf32, #tpu.memory_space<vmem>>) dst(%dma_wait3A_134 : memref<128x128xf32, #tpu.memory_space<hbm>>)
      %add3A_135 = arith.constant 3 : i32
      %add3A_136 = arith.addi %add3A_115, %add3A_135 : i32
      %add3A_137 = arith.addi %sub3A_21, %add3A_136 : i32
      %dma_start3A_138 = arith.constant 0 : i32
      %dma_start3A_139 = tpu.memref_slice %arg5[%add3A_137, %dma_start3A_138] : memref<40x128xi32, #tpu.memory_space<vmem>> -> memref<1x128xi32, #tpu.memory_space<vmem>>
      %dma_start3A_140 = tpu.memref_squeeze %dma_start3A_139 : memref<1x128xi32, #tpu.memory_space<vmem>> -> memref<128xi32, #tpu.memory_space<vmem>>
      %dma_start3A_141 = arith.constant 0 : i32
      %dma_start3A_142 = arith.constant 0 : i32
      %dma_start3A_143 = tpu.memref_slice %arg2[%dma_start3A_141, %dma_start3A_142] : memref<100000x128xf32, #tpu.memory_space<hbm>> -> memref<100000x128xf32, #tpu.memory_space<hbm>>
      tpu.enqueue_indirect_dma source(%dma_start3A_143 : memref<100000x128xf32, #tpu.memory_space<hbm>>) target(%arg6 : memref<128x128xf32, #tpu.memory_space<vmem>>) offsets(%dma_start3A_140 : memref<128xi32, #tpu.memory_space<vmem>>) semaphore(%arg9 : memref<!tpu.dma_semaphore, #tpu.memory_space<semaphore_mem>>)
      %add3A_144 = arith.constant 1 : i32
      %add3A_145 = arith.addi %mul3A_113, %add3A_144 : i32
      %add3A_146 = arith.addi %sub3A_21, %add3A_145 : i32
      %dma_wait3A_147 = arith.constant 0 : i32
      %dma_wait3A_148 = tpu.memref_slice %arg5[%add3A_146, %dma_wait3A_147] : memref<40x128xi32, #tpu.memory_space<vmem>> -> memref<1x128xi32, #tpu.memory_space<vmem>>
      %dma_wait3A_149 = tpu.memref_squeeze %dma_wait3A_148 : memref<1x128xi32, #tpu.memory_space<vmem>> -> memref<128xi32, #tpu.memory_space<vmem>>
      %dma_wait3A_150 = arith.constant 0 : i32
      %dma_wait3A_151 = arith.constant 0 : i32
      %dma_wait3A_152 = tpu.memref_slice %arg2[%dma_wait3A_150, %dma_wait3A_151] : memref<100000x128xf32, #tpu.memory_space<hbm>> -> memref<100000x128xf32, #tpu.memory_space<hbm>>
      tpu.wait_indirect_dma semaphore(%arg10 : memref<!tpu.dma_semaphore, #tpu.memory_space<semaphore_mem>>) src(%dma_wait3A_152 : memref<100000x128xf32, #tpu.memory_space<hbm>>) dst(%arg7 : memref<128x128xf32, #tpu.memory_space<vmem>>)
      %mul3A_153 = arith.constant 128 : i32
      %mul3A_154 = arith.muli %add3A_145, %mul3A_153 : i32
      %add3A_155 = arith.addi %mul3A_23, %mul3A_154 : i32
      %multiple_of3A_156 = tpu.assume_multiple %add3A_155, 8 : i32
      %dma_start3A_157 = arith.constant 0 : i32
      %dma_start3A_158 = tpu.memref_slice %arg4[%multiple_of3A_156, %dma_start3A_157] : memref<122880x128xf32, #tpu.memory_space<hbm>> -> memref<128x128xf32, #tpu.memory_space<hbm>>
      %dma_start3A_159 = arith.constant 0 : i32
      %dma_start3A_160 = tpu.memref_slice %arg4[%multiple_of3A_156, %dma_start3A_159] : memref<122880x128xf32, #tpu.memory_space<hbm>> -> memref<128x128xf32, #tpu.memory_space<hbm>>
      tpu.enqueue_dma source(%arg7 : memref<128x128xf32, #tpu.memory_space<vmem>>) target(%dma_start3A_160 : memref<128x128xf32, #tpu.memory_space<hbm>>) target_semaphore(%arg13 : memref<!tpu.dma_semaphore, #tpu.memory_space<semaphore_mem>>)
      %dma_wait3A_161 = arith.constant 0 : i32
      %dma_wait3A_162 = tpu.memref_slice %arg4[%mul3A_23, %dma_wait3A_161] : memref<122880x128xf32, #tpu.memory_space<hbm>> -> memref<128x128xf32, #tpu.memory_space<hbm>>
      %dma_wait3A_163 = arith.constant 0 : i32
      %dma_wait3A_164 = tpu.memref_slice %arg4[%mul3A_23, %dma_wait3A_163] : memref<122880x128xf32, #tpu.memory_space<hbm>> -> memref<128x128xf32, #tpu.memory_space<hbm>>
      tpu.wait_dma2 semaphore(%arg13 : memref<!tpu.dma_semaphore, #tpu.memory_space<semaphore_mem>>) src(%arg7 : memref<128x128xf32, #tpu.memory_space<vmem>>) dst(%dma_wait3A_164 : memref<128x128xf32, #tpu.memory_space<hbm>>)
      %add3A_165 = arith.constant 3 : i32
      %add3A_166 = arith.addi %add3A_145, %add3A_165 : i32
      %add3A_167 = arith.addi %sub3A_21, %add3A_166 : i32
      %dma_start3A_168 = arith.constant 0 : i32
      %dma_start3A_169 = tpu.memref_slice %arg5[%add3A_167, %dma_start3A_168] : memref<40x128xi32, #tpu.memory_space<vmem>> -> memref<1x128xi32, #tpu.memory_space<vmem>>
      %dma_start3A_170 = tpu.memref_squeeze %dma_start3A_169 : memref<1x128xi32, #tpu.memory_space<vmem>> -> memref<128xi32, #tpu.memory_space<vmem>>
      %dma_start3A_171 = arith.constant 0 : i32
      %dma_start3A_172 = arith.constant 0 : i32
      %dma_start3A_173 = tpu.memref_slice %arg2[%dma_start3A_171, %dma_start3A_172] : memref<100000x128xf32, #tpu.memory_space<hbm>> -> memref<100000x128xf32, #tpu.memory_space<hbm>>
      tpu.enqueue_indirect_dma source(%dma_start3A_173 : memref<100000x128xf32, #tpu.memory_space<hbm>>) target(%arg7 : memref<128x128xf32, #tpu.memory_space<vmem>>) offsets(%dma_start3A_170 : memref<128xi32, #tpu.memory_space<vmem>>) semaphore(%arg10 : memref<!tpu.dma_semaphore, #tpu.memory_space<semaphore_mem>>)
      %add3A_174 = arith.constant 2 : i32
      %add3A_175 = arith.addi %mul3A_113, %add3A_174 : i32
      %add3A_176 = arith.addi %sub3A_21, %add3A_175 : i32
      %dma_wait3A_177 = arith.constant 0 : i32
      %dma_wait3A_178 = tpu.memref_slice %arg5[%add3A_176, %dma_wait3A_177] : memref<40x128xi32, #tpu.memory_space<vmem>> -> memref<1x128xi32, #tpu.memory_space<vmem>>
      %dma_wait3A_179 = tpu.memref_squeeze %dma_wait3A_178 : memref<1x128xi32, #tpu.memory_space<vmem>> -> memref<128xi32, #tpu.memory_space<vmem>>
      %dma_wait3A_180 = arith.constant 0 : i32
      %dma_wait3A_181 = arith.constant 0 : i32
      %dma_wait3A_182 = tpu.memref_slice %arg2[%dma_wait3A_180, %dma_wait3A_181] : memref<100000x128xf32, #tpu.memory_space<hbm>> -> memref<100000x128xf32, #tpu.memory_space<hbm>>
      tpu.wait_indirect_dma semaphore(%arg11 : memref<!tpu.dma_semaphore, #tpu.memory_space<semaphore_mem>>) src(%dma_wait3A_182 : memref<100000x128xf32, #tpu.memory_space<hbm>>) dst(%arg8 : memref<128x128xf32, #tpu.memory_space<vmem>>)
      %mul3A_183 = arith.constant 128 : i32
      %mul3A_184 = arith.muli %add3A_175, %mul3A_183 : i32
      %add3A_185 = arith.addi %mul3A_23, %mul3A_184 : i32
      %multiple_of3A_186 = tpu.assume_multiple %add3A_185, 8 : i32
      %dma_start3A_187 = arith.constant 0 : i32
      %dma_start3A_188 = tpu.memref_slice %arg4[%multiple_of3A_186, %dma_start3A_187] : memref<122880x128xf32, #tpu.memory_space<hbm>> -> memref<128x128xf32, #tpu.memory_space<hbm>>
      %dma_start3A_189 = arith.constant 0 : i32
      %dma_start3A_190 = tpu.memref_slice %arg4[%multiple_of3A_186, %dma_start3A_189] : memref<122880x128xf32, #tpu.memory_space<hbm>> -> memref<128x128xf32, #tpu.memory_space<hbm>>
      tpu.enqueue_dma source(%arg8 : memref<128x128xf32, #tpu.memory_space<vmem>>) target(%dma_start3A_190 : memref<128x128xf32, #tpu.memory_space<hbm>>) target_semaphore(%arg14 : memref<!tpu.dma_semaphore, #tpu.memory_space<semaphore_mem>>)
      %dma_wait3A_191 = arith.constant 0 : i32
      %dma_wait3A_192 = tpu.memref_slice %arg4[%mul3A_23, %dma_wait3A_191] : memref<122880x128xf32, #tpu.memory_space<hbm>> -> memref<128x128xf32, #tpu.memory_space<hbm>>
      %dma_wait3A_193 = arith.constant 0 : i32
      %dma_wait3A_194 = tpu.memref_slice %arg4[%mul3A_23, %dma_wait3A_193] : memref<122880x128xf32, #tpu.memory_space<hbm>> -> memref<128x128xf32, #tpu.memory_space<hbm>>
      tpu.wait_dma2 semaphore(%arg14 : memref<!tpu.dma_semaphore, #tpu.memory_space<semaphore_mem>>) src(%arg8 : memref<128x128xf32, #tpu.memory_space<vmem>>) dst(%dma_wait3A_194 : memref<128x128xf32, #tpu.memory_space<hbm>>)
      %add3A_195 = arith.constant 3 : i32
      %add3A_196 = arith.addi %add3A_175, %add3A_195 : i32
      %add3A_197 = arith.addi %sub3A_21, %add3A_196 : i32
      %dma_start3A_198 = arith.constant 0 : i32
      %dma_start3A_199 = tpu.memref_slice %arg5[%add3A_197, %dma_start3A_198] : memref<40x128xi32, #tpu.memory_space<vmem>> -> memref<1x128xi32, #tpu.memory_space<vmem>>
      %dma_start3A_200 = tpu.memref_squeeze %dma_start3A_199 : memref<1x128xi32, #tpu.memory_space<vmem>> -> memref<128xi32, #tpu.memory_space<vmem>>
      %dma_start3A_201 = arith.constant 0 : i32
      %dma_start3A_202 = arith.constant 0 : i32
      %dma_start3A_203 = tpu.memref_slice %arg2[%dma_start3A_201, %dma_start3A_202] : memref<100000x128xf32, #tpu.memory_space<hbm>> -> memref<100000x128xf32, #tpu.memory_space<hbm>>
      tpu.enqueue_indirect_dma source(%dma_start3A_203 : memref<100000x128xf32, #tpu.memory_space<hbm>>) target(%arg8 : memref<128x128xf32, #tpu.memory_space<vmem>>) offsets(%dma_start3A_200 : memref<128xi32, #tpu.memory_space<vmem>>) semaphore(%arg11 : memref<!tpu.dma_semaphore, #tpu.memory_space<semaphore_mem>>)
    }
    %scan3A_50 = arith.constant 9 : i32
    %add3A_51 = arith.constant 27 : i32
    %add3A_52 = arith.addi %sub3A_21, %add3A_51 : i32
    %dma_wait3A = arith.constant 0 : i32
    %dma_wait3A_53 = tpu.memref_slice %arg5[%add3A_52, %dma_wait3A] : memref<40x128xi32, #tpu.memory_space<vmem>> -> memref<1x128xi32, #tpu.memory_space<vmem>>
    %dma_wait3A_54 = tpu.memref_squeeze %dma_wait3A_53 : memref<1x128xi32, #tpu.memory_space<vmem>> -> memref<128xi32, #tpu.memory_space<vmem>>
    %dma_wait3A_55 = arith.constant 0 : i32
    %dma_wait3A_56 = arith.constant 0 : i32
    %dma_wait3A_57 = tpu.memref_slice %arg2[%dma_wait3A_55, %dma_wait3A_56] : memref<100000x128xf32, #tpu.memory_space<hbm>> -> memref<100000x128xf32, #tpu.memory_space<hbm>>
    tpu.wait_indirect_dma semaphore(%arg9 : memref<!tpu.dma_semaphore, #tpu.memory_space<semaphore_mem>>) src(%dma_wait3A_57 : memref<100000x128xf32, #tpu.memory_space<hbm>>) dst(%arg6 : memref<128x128xf32, #tpu.memory_space<vmem>>)
    %add3A_58 = arith.constant 3456 : i32
    %add3A_59 = arith.addi %mul3A_23, %add3A_58 : i32
    %multiple_of3A_60 = tpu.assume_multiple %add3A_59, 8 : i32
    %dma_start3A_61 = arith.constant 0 : i32
    %dma_start3A_62 = tpu.memref_slice %arg4[%multiple_of3A_60, %dma_start3A_61] : memref<122880x128xf32, #tpu.memory_space<hbm>> -> memref<128x128xf32, #tpu.memory_space<hbm>>
    %dma_start3A_63 = arith.constant 0 : i32
    %dma_start3A_64 = tpu.memref_slice %arg4[%multiple_of3A_60, %dma_start3A_63] : memref<122880x128xf32, #tpu.memory_space<hbm>> -> memref<128x128xf32, #tpu.memory_space<hbm>>
    tpu.enqueue_dma source(%arg6 : memref<128x128xf32, #tpu.memory_space<vmem>>) target(%dma_start3A_64 : memref<128x128xf32, #tpu.memory_space<hbm>>) target_semaphore(%arg12 : memref<!tpu.dma_semaphore, #tpu.memory_space<semaphore_mem>>)
    %add3A_65 = arith.constant 28 : i32
    %add3A_66 = arith.addi %sub3A_21, %add3A_65 : i32
    %dma_wait3A_67 = arith.constant 0 : i32
    %dma_wait3A_68 = tpu.memref_slice %arg5[%add3A_66, %dma_wait3A_67] : memref<40x128xi32, #tpu.memory_space<vmem>> -> memref<1x128xi32, #tpu.memory_space<vmem>>
    %dma_wait3A_69 = tpu.memref_squeeze %dma_wait3A_68 : memref<1x128xi32, #tpu.memory_space<vmem>> -> memref<128xi32, #tpu.memory_space<vmem>>
    %dma_wait3A_70 = arith.constant 0 : i32
    %dma_wait3A_71 = arith.constant 0 : i32
    %dma_wait3A_72 = tpu.memref_slice %arg2[%dma_wait3A_70, %dma_wait3A_71] : memref<100000x128xf32, #tpu.memory_space<hbm>> -> memref<100000x128xf32, #tpu.memory_space<hbm>>
    tpu.wait_indirect_dma semaphore(%arg10 : memref<!tpu.dma_semaphore, #tpu.memory_space<semaphore_mem>>) src(%dma_wait3A_72 : memref<100000x128xf32, #tpu.memory_space<hbm>>) dst(%arg7 : memref<128x128xf32, #tpu.memory_space<vmem>>)
    %add3A_73 = arith.constant 3584 : i32
    %add3A_74 = arith.addi %mul3A_23, %add3A_73 : i32
    %multiple_of3A_75 = tpu.assume_multiple %add3A_74, 8 : i32
    %dma_start3A_76 = arith.constant 0 : i32
    %dma_start3A_77 = tpu.memref_slice %arg4[%multiple_of3A_75, %dma_start3A_76] : memref<122880x128xf32, #tpu.memory_space<hbm>> -> memref<128x128xf32, #tpu.memory_space<hbm>>
    %dma_start3A_78 = arith.constant 0 : i32
    %dma_start3A_79 = tpu.memref_slice %arg4[%multiple_of3A_75, %dma_start3A_78] : memref<122880x128xf32, #tpu.memory_space<hbm>> -> memref<128x128xf32, #tpu.memory_space<hbm>>
    tpu.enqueue_dma source(%arg7 : memref<128x128xf32, #tpu.memory_space<vmem>>) target(%dma_start3A_79 : memref<128x128xf32, #tpu.memory_space<hbm>>) target_semaphore(%arg13 : memref<!tpu.dma_semaphore, #tpu.memory_space<semaphore_mem>>)
    %add3A_80 = arith.constant 29 : i32
    %add3A_81 = arith.addi %sub3A_21, %add3A_80 : i32
    %dma_wait3A_82 = arith.constant 0 : i32
    %dma_wait3A_83 = tpu.memref_slice %arg5[%add3A_81, %dma_wait3A_82] : memref<40x128xi32, #tpu.memory_space<vmem>> -> memref<1x128xi32, #tpu.memory_space<vmem>>
    %dma_wait3A_84 = tpu.memref_squeeze %dma_wait3A_83 : memref<1x128xi32, #tpu.memory_space<vmem>> -> memref<128xi32, #tpu.memory_space<vmem>>
    %dma_wait3A_85 = arith.constant 0 : i32
    %dma_wait3A_86 = arith.constant 0 : i32
    %dma_wait3A_87 = tpu.memref_slice %arg2[%dma_wait3A_85, %dma_wait3A_86] : memref<100000x128xf32, #tpu.memory_space<hbm>> -> memref<100000x128xf32, #tpu.memory_space<hbm>>
    tpu.wait_indirect_dma semaphore(%arg11 : memref<!tpu.dma_semaphore, #tpu.memory_space<semaphore_mem>>) src(%dma_wait3A_87 : memref<100000x128xf32, #tpu.memory_space<hbm>>) dst(%arg8 : memref<128x128xf32, #tpu.memory_space<vmem>>)
    %add3A_88 = arith.constant 3712 : i32
    %add3A_89 = arith.addi %mul3A_23, %add3A_88 : i32
    %multiple_of3A_90 = tpu.assume_multiple %add3A_89, 8 : i32
    %dma_start3A_91 = arith.constant 0 : i32
    %dma_start3A_92 = tpu.memref_slice %arg4[%multiple_of3A_90, %dma_start3A_91] : memref<122880x128xf32, #tpu.memory_space<hbm>> -> memref<128x128xf32, #tpu.memory_space<hbm>>
    %dma_start3A_93 = arith.constant 0 : i32
    %dma_start3A_94 = tpu.memref_slice %arg4[%multiple_of3A_90, %dma_start3A_93] : memref<122880x128xf32, #tpu.memory_space<hbm>> -> memref<128x128xf32, #tpu.memory_space<hbm>>
    tpu.enqueue_dma source(%arg8 : memref<128x128xf32, #tpu.memory_space<vmem>>) target(%dma_start3A_94 : memref<128x128xf32, #tpu.memory_space<hbm>>) target_semaphore(%arg14 : memref<!tpu.dma_semaphore, #tpu.memory_space<semaphore_mem>>)
    %dma_wait3A_95 = arith.constant 0 : i32
    %dma_wait3A_96 = tpu.memref_slice %arg4[%mul3A_23, %dma_wait3A_95] : memref<122880x128xf32, #tpu.memory_space<hbm>> -> memref<128x128xf32, #tpu.memory_space<hbm>>
    %dma_wait3A_97 = arith.constant 0 : i32
    %dma_wait3A_98 = tpu.memref_slice %arg4[%mul3A_23, %dma_wait3A_97] : memref<122880x128xf32, #tpu.memory_space<hbm>> -> memref<128x128xf32, #tpu.memory_space<hbm>>
    tpu.wait_dma2 semaphore(%arg12 : memref<!tpu.dma_semaphore, #tpu.memory_space<semaphore_mem>>) src(%arg6 : memref<128x128xf32, #tpu.memory_space<vmem>>) dst(%dma_wait3A_98 : memref<128x128xf32, #tpu.memory_space<hbm>>)
    %dma_wait3A_99 = arith.constant 0 : i32
    %dma_wait3A_100 = tpu.memref_slice %arg4[%mul3A_23, %dma_wait3A_99] : memref<122880x128xf32, #tpu.memory_space<hbm>> -> memref<128x128xf32, #tpu.memory_space<hbm>>
    %dma_wait3A_101 = arith.constant 0 : i32
    %dma_wait3A_102 = tpu.memref_slice %arg4[%mul3A_23, %dma_wait3A_101] : memref<122880x128xf32, #tpu.memory_space<hbm>> -> memref<128x128xf32, #tpu.memory_space<hbm>>
    tpu.wait_dma2 semaphore(%arg13 : memref<!tpu.dma_semaphore, #tpu.memory_space<semaphore_mem>>) src(%arg7 : memref<128x128xf32, #tpu.memory_space<vmem>>) dst(%dma_wait3A_102 : memref<128x128xf32, #tpu.memory_space<hbm>>)
    %dma_wait3A_103 = arith.constant 0 : i32
    %dma_wait3A_104 = tpu.memref_slice %arg4[%mul3A_23, %dma_wait3A_103] : memref<122880x128xf32, #tpu.memory_space<hbm>> -> memref<128x128xf32, #tpu.memory_space<hbm>>
    %dma_wait3A_105 = arith.constant 0 : i32
    %dma_wait3A_106 = tpu.memref_slice %arg4[%mul3A_23, %dma_wait3A_105] : memref<122880x128xf32, #tpu.memory_space<hbm>> -> memref<128x128xf32, #tpu.memory_space<hbm>>
    tpu.wait_dma2 semaphore(%arg14 : memref<!tpu.dma_semaphore, #tpu.memory_space<semaphore_mem>>) src(%arg8 : memref<128x128xf32, #tpu.memory_space<vmem>>) dst(%dma_wait3A_106 : memref<128x128xf32, #tpu.memory_space<hbm>>)
    return
  }
}

module attributes {stable_mosaic.version = 14 : i64} {
  func.func @_proj_body(%arg0: i32, %arg1: memref<5000x512xf32, #tpu.memory_space<vmem>>, %arg2: memref<1x1x5000xi32, #tpu.memory_space<vmem>>, %arg3: memref<16x128xf32, #tpu.memory_space<vmem>>, %arg4: memref<512x128xf32, #tpu.memory_space<vmem>>, %arg5: memref<128x128xf32, #tpu.memory_space<vmem>>, %arg6: memref<1x128xf32, #tpu.memory_space<vmem>>, %arg7: memref<5000x128xf32, #tpu.memory_space<vmem>>) attributes {dimension_semantics = [#tpu.dimension_semantics<arbitrary>], iteration_bounds = array<i64: 20>, scalar_prefetch = 0 : i64, scratch_operands = 0 : i64, tpu.core_type = #tpu.core_type<tc>, window_params = [{transform_indices = @transform_0, window_bounds = array<i64: 5000, 512>}, {transform_indices = @transform_1, window_bounds = array<i64: 1, 1, 5000>}, {pipeline_mode = #tpu.pipeline_mode<synchronous>, transform_indices = @transform_2, window_bounds = array<i64: 16, 128>}, {pipeline_mode = #tpu.pipeline_mode<synchronous>, transform_indices = @transform_3, window_bounds = array<i64: 512, 128>}, {pipeline_mode = #tpu.pipeline_mode<synchronous>, transform_indices = @transform_4, window_bounds = array<i64: 128, 128>}, {pipeline_mode = #tpu.pipeline_mode<synchronous>, transform_indices = @transform_5, window_bounds = array<i64: 1, 128>}, {transform_indices = @transform_6, window_bounds = array<i64: 5000, 128>}]} {
    %get3A = arith.constant 0 : index
    %get3A_0 = arith.constant 0 : index
    %get3A_1 = vector.load %arg1[%get3A, %get3A_0] : memref<5000x512xf32, #tpu.memory_space<vmem>>, vector<5000x512xf32>
    %get3A_2 = arith.constant 0 : index
    %get3A_3 = arith.constant 0 : index
    %get3A_4 = vector.load %arg4[%get3A_2, %get3A_3] : memref<512x128xf32, #tpu.memory_space<vmem>>, vector<512x128xf32>
    %dot_general3A = arith.constant dense<0.000000e+00> : vector<5000x128xf32>
    %dot_general3A_5 = tpu.matmul %get3A_1, %get3A_4, %dot_general3A {dimension_numbers = #tpu.dot_dimension_numbers<[1], [0], [0], [1], [0, 0, 1, 1], [], []>, transpose_lhs_hint = false} : vector<5000x512xf32>, vector<512x128xf32>, vector<5000x128xf32> -> vector<5000x128xf32>
    %get3A_6 = arith.constant 0 : index
    %get3A_7 = arith.constant 0 : index
    %get3A_8 = vector.load %arg3[%get3A_6, %get3A_7] : memref<16x128xf32, #tpu.memory_space<vmem>>, vector<16x128xf32>
    %get3A_9 = arith.constant 0 : index
    %get3A_10 = arith.constant 0 : index
    %get3A_11 = vector.load %arg5[%get3A_9, %get3A_10] : memref<128x128xf32, #tpu.memory_space<vmem>>, vector<128x128xf32>
    %dot_general3A_12 = arith.constant dense<0.000000e+00> : vector<16x128xf32>
    %dot_general3A_13 = tpu.matmul %get3A_8, %get3A_11, %dot_general3A_12 {dimension_numbers = #tpu.dot_dimension_numbers<[1], [0], [0], [1], [0, 0, 1, 1], [], []>, transpose_lhs_hint = false} : vector<16x128xf32>, vector<128x128xf32>, vector<16x128xf32> -> vector<16x128xf32>
    %get3A_14 = arith.constant 0 : index
    %get3A_15 = arith.constant 0 : index
    %get3A_16 = arith.constant 0 : index
    %get3A_17 = vector.load %arg2[%get3A_14, %get3A_15, %get3A_16] : memref<1x1x5000xi32, #tpu.memory_space<vmem>>, vector<1x1x5000xi32>
    %get3A_18 = vector.shape_cast %get3A_17 : vector<1x1x5000xi32> to vector<5000xi32>
    %broadcast_in_dim3A = vector.shape_cast %get3A_18 : vector<5000xi32> to vector<5000x1xi32>
    %iota3A = tpu.iota {dimensions = array<i32: 1>} : vector<5000x16xi32>
    %eq3A = vector.broadcast %broadcast_in_dim3A : vector<5000x1xi32> to vector<5000x16xi32>
    %eq3A_19 = arith.cmpi eq, %eq3A, %iota3A : vector<5000x16xi32>
    %convert_element_type3A = arith.extui %eq3A_19 : vector<5000x16xi1> to vector<5000x16xi32>
    %convert_element_type3A_20 = arith.sitofp %convert_element_type3A : vector<5000x16xi32> to vector<5000x16xf32>
    %dot_general3A_21 = arith.constant dense<0.000000e+00> : vector<5000x128xf32>
    %dot_general3A_22 = tpu.matmul %convert_element_type3A_20, %dot_general3A_13, %dot_general3A_21 {dimension_numbers = #tpu.dot_dimension_numbers<[1], [0], [0], [1], [0, 0, 1, 1], [], []>, transpose_lhs_hint = false} : vector<5000x16xf32>, vector<16x128xf32>, vector<5000x128xf32> -> vector<5000x128xf32>
    %add3A = arith.addf %dot_general3A_5, %dot_general3A_22 : vector<5000x128xf32>
    %get3A_23 = arith.constant 0 : index
    %get3A_24 = arith.constant 0 : index
    %get3A_25 = vector.load %arg6[%get3A_23, %get3A_24] : memref<1x128xf32, #tpu.memory_space<vmem>>, vector<1x128xf32>
    %add3A_26 = vector.broadcast %get3A_25 : vector<1x128xf32> to vector<5000x128xf32>
    %add3A_27 = arith.addf %add3A, %add3A_26 : vector<5000x128xf32>
    %swap3A = arith.constant 0 : index
    %swap3A_28 = arith.constant 0 : index
    %swap3A_29 = vector.load %arg7[%swap3A, %swap3A_28] : memref<5000x128xf32, #tpu.memory_space<vmem>>, vector<5000x128xf32>
    tpu.vector_store %arg7[%swap3A, %swap3A_28], %add3A_27 {strides = array<i32>} : memref<5000x128xf32, #tpu.memory_space<vmem>>, vector<5000x128xf32>,
    return
  }
  func.func @transform_0(%arg0: i32) -> (i32, i32) {
    %c0_i32 = arith.constant 0 : i32
    %c0_i32_0 = arith.constant 0 : i32
    return %arg0, %c0_i32 : i32, i32
  }
  func.func @transform_1(%arg0: i32) -> (i32, i32, i32) {
    %c0_i32 = arith.constant 0 : i32
    %c0_i32_0 = arith.constant 0 : i32
    %c0_i32_1 = arith.constant 0 : i32
    return %arg0, %c0_i32, %c0_i32_0 : i32, i32, i32
  }
  func.func @transform_2(%arg0: i32) -> (i32, i32) {
    %c0_i32 = arith.constant 0 : i32
    %c0_i32_0 = arith.constant 0 : i32
    %c0_i32_1 = arith.constant 0 : i32
    return %c0_i32, %c0_i32_0 : i32, i32
  }
  func.func @transform_3(%arg0: i32) -> (i32, i32) {
    %c0_i32 = arith.constant 0 : i32
    %c0_i32_0 = arith.constant 0 : i32
    %c0_i32_1 = arith.constant 0 : i32
    return %c0_i32, %c0_i32_0 : i32, i32
  }
  func.func @transform_4(%arg0: i32) -> (i32, i32) {
    %c0_i32 = arith.constant 0 : i32
    %c0_i32_0 = arith.constant 0 : i32
    %c0_i32_1 = arith.constant 0 : i32
    return %c0_i32, %c0_i32_0 : i32, i32
  }
  func.func @transform_5(%arg0: i32) -> (i32, i32) {
    %c0_i32 = arith.constant 0 : i32
    %c0_i32_0 = arith.constant 0 : i32
    %c0_i32_1 = arith.constant 0 : i32
    return %c0_i32, %c0_i32_0 : i32, i32
  }
  func.func @transform_6(%arg0: i32) -> (i32, i32) {
    %c0_i32 = arith.constant 0 : i32
    %c0_i32_0 = arith.constant 0 : i32
    return %arg0, %c0_i32 : i32, i32
  }
}

</mosaic_0001>

<sc_bundles>
// kernel: kernel.4.cloned.1.call-start
scs
__scs_entry_jumppad:
0x0: {  	(pc) =	sbr.rel $0x88, $3  }
0x1: {  	(tag) =	ssettag $0x0;
	lr =	simm.s32 $0x1  }
0x2: {  	[smem:$0x3F9B] =	sst lr;
	_ =	strace $0xD0000000  }
0x3: {  	_ = 	snop  }
0x4: {  	_ = 	snop  }
0x5: {  	_ = 	snop  }
0x6: {  	_ = 	snop  }
0x7: {  	_ = 	snop  }
__scs_overlays_trampoline_lowered:
0x8: {  	[smem:$0x3FAA] =	sst s0  }
0x9: {  	[smem:$0x3FAB] =	sst s1  }
0xa: {  	[smem:$0x3FAC] =	sst s2  }
0xb: {  	[smem:$0x3FAD] =	sst s3  }
0xc: {  	[smem:$0x3FAE] =	sst s4  }
0xd: {  	[smem:$0x3FAF] =	sst s5  }
0xe: {  	[smem:$0x3FB0] =	sst s6  }
0xf: {  	[smem:$0x3FB1] =	sst s7  }
0x10: {  	[smem:$0x3FB2] =	sst s8  }
0x11: {  	[smem:$0x3FB3] =	sst s9;
	s0 =	simm.s32 @!p0 $0x0  }
0x12: {  	s1 =	sld [smem:$0x3F99];
	s0 =	simm.s32 @p0 $0x1  }
0x13: {  	[smem:$0x3FB4] =	sst s0;
	s0 =	simm.s32 @!p1 $0x0  }
0x14: {  	s2 =	sld [smem:$0x3F98];
	s0 =	simm.s32 @p1 $0x1  }
0x15: {  	[smem:$0x3FB5] =	sst s0;
	s0 =	simm.s32 @!p2 $0x0  }
0x16: {  	s3 =	sld [smem:$0x3FDB];
	s0 =	simm.s32 @p2 $0x1  }
0x17: {  	s4 =	simm.s32 $0x1BF5;
	[smem:$0x3FB7] =	sst s0  }
0x18: {  	s0 =	sld [smem:$0x3F9A];
	_ =	swait.ge [sflag:s4], $0x0  }
0x19: {  	s7 =	sld [smem:$0x3F9B]  }
0x1a: {  	s8 =	sadd.s32 $0xFFFFE003, lr  }
0x1b: {  	s9 =	sadd.s32 $0xFFFFFEF7, lr;
	s5 =	simm.s32 $0xFFFFFFFF;
	p2 =	slt.u32 s8, $0xFFFFF086  }
0x1c: {  	p1 =	slt.u32 s9, $0xF7A;
	s5 =	simm.s32 @!p2 $0x0  }
0x1d: {  	s5 =	simm.s32 @p1 $0x1;
	p0 =	seq.s32 s7, s2  }
0x1e: {  	s7 =	smul.u32 @!p0 $0xF7A, s2;
	p2 =	seq.s32 @!p0 s5, $0x0  }
0x1f: {  	s9 =	smul.u32 $0xF7A, s1;
	s8 =	simm.s32 @!p0 $0x1BF5;
	p2 =	por !p2, p0  }
0x20: {  	[sflag:s8] =	ssyncset.s32 @!p0 $0xFFFFF086;
	s6 =	sadd.s32 @!p0 s3, s7;
	s7 =	simm.s32 @!p0 $0x108  }
0x21: {  	s3 =	sadd.s32 s3, s9;
	s6 =	sadd.s32 @!p0 $0x88, s6;
	s7 =	simm.s32 @p2 $0x1082  }
0x22: {  	[simem:s7], [sflag:s8] =	dma.local @!p0 [hbm:s6], $0xF7A  }
0x23: {  	s9 =	sor.u32 $0xD0000000, s2;
	s6 =	simm.s32 $0x108;
	_ =	swait.ge @!p0 [sflag:s8], $0x0  }
0x24: {  	s3 =	sadd.s32 $0x88, s3;
	s6 =	simm.s32 @!p1 $0x1082;
	[sflag:s4] =	ssyncset.s32 $0xFFFFF086  }
0x25: {  	[simem:s6], [sflag:s4] =	dma.local [hbm:s3], $0xF7A  }
0x26: {  	[smem:$0x3F9B] =	sst s1;
	(tag) =	ssettag s2;
	_ =	strace s9  }
0x27: {  	s1 =	sld [smem:$0x3FAB]  }
0x28: {  	s2 =	sld [smem:$0x3FAC]  }
0x29: {  	s4 =	sld [smem:$0x3FAE]  }
0x2a: {  	p0 =	seq.s32 s5, $0x0;
	s5 =	sld [smem:$0x3FAF]  }
0x2b: {  	s6 =	sld [smem:$0x3FB0]  }
0x2c: {  	s7 =	sld [smem:$0x3FB1]  }
0x2d: {  	s3 =	simm.s32 $0x108;
	s8 =	sld [smem:$0x3FB2]  }
0x2e: {  	s3 =	simm.s32 @!p0 $0x1082;
	s9 =	sld [smem:$0x3FB3]  }
0x2f: {  	lr =	sadd.s32 s0, s3;
	s0 =	sld [smem:$0x3FAA]  }
0x30: {  	s3 =	sld [smem:$0x3FAD]  }
0x31: {  	[smem:$0x3FB6] =	sst s10  }
0x32: {  	s10 =	sld [smem:$0x3FB4];
	_ =	sdelay $0x3  }
0x33: {  	p0 =	seq.s32 s10, $0x1;
	s10 =	sld [smem:$0x3FB6];
	_ =	sdelay $0x3  }
0x34: {  	[smem:$0x3FB6] =	sst s10  }
0x35: {  	s10 =	sld [smem:$0x3FB5];
	_ =	sdelay $0x3  }
0x36: {  	p1 =	seq.s32 s10, $0x1;
	s10 =	sld [smem:$0x3FB6];
	_ =	sdelay $0x3  }
0x37: {  	[smem:$0x3FB6] =	sst s10  }
0x38: {  	s10 =	sld [smem:$0x3FB7]  }
0x39: {  	_ = 	snop;
	(pc) =	sbr.ind lr, $3  }
0x3a: {  	_ = 	snop  }
0x3b: {  	_ = 	snop  }
0x3c: {  	p2 =	seq.s32 s10, $0x1;
	s10 =	sld [smem:$0x3FB6]  }
0x3d: {  	_ =	shalt  }
0x3e: {  	_ =	shalt  }
0x3f: {  	_ =	shalt  }
0x40: {  	_ =	shalt  }
0x41: {  	_ =	shalt  }
0x42: {  	_ =	shalt  }
0x43: {  	_ =	shalt  }
0x44: {  	_ =	shalt  }
0x45: {  	_ =	shalt  }
0x46: {  	_ =	shalt  }
0x47: {  	_ =	shalt  }
0x48: {  	_ =	shalt  }
0x49: {  	_ =	shalt  }
0x4a: {  	_ =	shalt  }
0x4b: {  	_ =	shalt  }
0x4c: {  	_ =	shalt  }
0x4d: {  	_ =	shalt  }
0x4e: {  	_ =	shalt  }
0x4f: {  	_ =	shalt  }
0x50: {  	_ =	shalt  }
0x51: {  	_ =	shalt  }
0x52: {  	_ =	shalt  }
0x53: {  	_ =	shalt  }
0x54: {  	_ =	shalt  }
0x55: {  	_ =	shalt  }
0x56: {  	_ =	shalt  }
0x57: {  	_ =	shalt  }
0x58: {  	_ =	shalt  }
0x59: {  	_ =	shalt  }
0x5a: {  	_ =	shalt  }
0x5b: {  	_ =	shalt  }
0x5c: {  	_ =	shalt  }
0x5d: {  	_ =	shalt  }
0x5e: {  	_ =	shalt  }
0x5f: {  	_ =	shalt  }
0x60: {  	_ =	shalt  }
0x61: {  	_ =	shalt  }
0x62: {  	_ =	shalt  }
0x63: {  	_ =	shalt  }
0x64: {  	_ =	shalt  }
0x65: {  	_ =	shalt  }
0x66: {  	_ =	shalt  }
0x67: {  	_ =	shalt  }
0x68: {  	_ =	shalt  }
0x69: {  	_ =	shalt  }
0x6a: {  	_ =	shalt  }
0x6b: {  	_ =	shalt  }
0x6c: {  	_ =	shalt  }
0x6d: {  	_ =	shalt  }
0x6e: {  	_ =	shalt  }
0x6f: {  	_ =	shalt  }
0x70: {  	_ =	shalt  }
0x71: {  	_ =	shalt  }
0x72: {  	_ =	shalt  }
0x73: {  	_ =	shalt  }
0x74: {  	_ =	shalt  }
0x75: {  	_ =	shalt  }
0x76: {  	_ =	shalt  }
0x77: {  	_ =	shalt  }
0x78: {  	_ =	shalt  }
0x79: {  	_ =	shalt  }
0x7a: {  	_ =	shalt  }
0x7b: {  	_ =	shalt  }
0x7c: {  	_ =	shalt  }
0x7d: {  	_ =	shalt  }
0x7e: {  	_ =	shalt  }
0x7f: {  	_ =	shalt  }
0x80: {  	_ =	shalt  }
0x81: {  	_ =	shalt  }
0x82: {  	_ =	shalt  }
0x83: {  	_ =	shalt  }
0x84: {  	_ =	shalt  }
0x85: {  	_ =	shalt  }
0x86: {  	_ =	shalt  }
0x87: {  	_ =	shalt  }
.Lfunc_end0:
.L_simem_size_0:
called_computation_lowered:
.L_overlay_start_0:
0x88: {  	s2 =	sld [smem:$0x3FD9]  }
0x89: {  	s3 =	sld [smem:$0x3FFE];
	_ =	sdelay $0x1  }
0x8a: {  	s1 =	srdreg.scid  }
0x8b: {  	s0 =	sand.u32 $0x1, s1  }
0x8c: {  	s17 =	sshll.u32 s0, $0xA;
	s2 =	sadd.s32 s3, s2  }
0x8d: {  	s2 =	sadd.s32 s2, s17  }
0x8e: {  	[smem:$0x3FC2] =	sst s2  }
0x8f: {  	_ = 	snop  }
0x90: {  	s2 =	sld [smem:$0x3FD0];
	(tm) =	ssettm $0x1  }
0x91: {  	s18 =	sld [smem:$0x3FFB];
	_ =	sdelay $0x3  }
0x92: {  	_ =	strace s18  }
0x93: {  	s3 =	sld [smem:$0x3FFC];
	_ =	sdelay $0x3  }
0x94: {  	_ =	strace s3  }
0x95: {  	s3 =	sld [smem:$0x3FFD];
	_ =	sdelay $0x3  }
0x96: {  	_ =	strace s3  }
0x97: {  	_ =	strace $0x8FFFFFFF  }
0x98: {  	s19 =	sld [smem:$0x3FDB];
	_ =	sdelay $0x1  }
0x99: {  	s4 =	simm.s32 $_scs_section_size  }
0x9a: {  	s5 =	simm.s32 $_size__tile_overlayer_lowered;
	s6 =	simm.s32 $_tile_overlayer_lowered  }
0x9b: {  	s22 =	simm.s32 $0x1BFF;
	s21 =	sshll.u32 s6, $0x1;
	s3 =	sadd.s32 s4, s19  }
0x9c: {  	s7 =	simm.s32 $0x0;
	s20 =	sshll.u32 s5, $0x1;
	s5 =	sadd.s32 s21, s3  }
0x9d: {  	[timem:s7], [sflag:s22] =	dma.local [hbm:s5], s20  }
0x9e: {  	_ =	swait.ge [sflag:s22], s20  }
0x9f: {  	s4 =	ssub.s32 $0x0, s20;
	[sflag:s22] =	ssyncset.done $0x0  }
0xa0: {  	[sflag:s22] =	ssyncadd.s32 s4;
	_ =	sdelay $0x1  }
0xa1: {  	s23 =	simm.s32 $0x1B8B  }
0xa2: {  	_ =	swait.ge [sflag:s23], $0x1  }
0xa3: {  	[sflag:s23] =	ssyncset.done $0x0  }
0xa4: {  	s25 =	simm.s32 $0x1B8E;
	s24 =	sld [smem:$0x3FFE];
	[sflag:s23] =	ssyncadd.s32 $0xFFFFFFFF  }
0xa5: {  	s26 =	simm.s32 $execute0_lowered;
	[smem:$0x3FD2] =	sst s25  }
0xa6: {  	s5 =	sshll.u32 s26, $0x1;
	_ =	strace $0x80000046;
	[dreg:$0x1] =	wrdreg $0xFFFFFFFF  }
0xa7: {  	s28 =	simm.s32 $_size_execute0_lowered;
	s3 =	sadd.s32 s3, s5;
	[dreg:$0x0] =	wrdreg $0x0  }
0xa8: {  	s5 =	sshll.u32 s28, $0x1;
	[dreg:$0x2] =	wrdreg s3  }
0xa9: {  	[dreg:$0x3] =	wrdreg s5  }
0xaa: {  	[dreg:$0x4] =	wrdreg $0xC0  }
0xab: {  	_ =	task [dreg:s7], $0x5FFFF  }
0xac: {  	[dreg:$0x1] =	wrdreg $0xFFFFFFFF  }
0xad: {  	[dreg:$0x0] =	wrdreg $0x60  }
0xae: {  	[dreg:$0x2] =	wrdreg s24  }
0xaf: {  	[dreg:$0x3] =	wrdreg s2  }
0xb0: {  	[dreg:$0x4] =	wrdreg $0x9  }
0xb1: {  	_ =	task.clear_ibuf [dreg:s7], $0x5FFFF;
	_ =	strace $0x90000046  }
0xb2: {  	s29 =	simm.s32 $0x9;
	_ =	strace $0x80000048  }
0xb3: {  	_ =	swait.ge [sflag:s29], $0x1  }
0xb4: {  	[sflag:s29] =	ssyncadd.s32 $0xFFFFFFFF  }
0xb5: {  	_ =	strace $0x90000048  }
0xb6: {  	_ =	sfence  }
0xb7: {  	s30 =	sld [smem:$0x0];
	_ =	sdelay $0x2  }
0xb8: {  	s31 =	sshll.u32 s1, $0xD;
	s1 =	sshrl.u32 s1, $0x2  }
0xb9: {  	s3 =	sand.u32 $0x4000, s31;
	s1 =	sadd.s32 s1, s30  }
0xba: {  	s0 =	sor.u32 s3, s0;
	s1 =	sshll.u32 s1, $0x11  }
0xbb: {  	s0 =	sor.u32 s1, s0  }
0xbc: {  	s0 =	sadd.s32 $0x8F2B, s0  }
0xbd: {  	[sflag:s0] =	ssyncadd.remote.s32 $0x1  }
0xbe: {  	_ =	sfence.sel $0xFFFF  }
0xbf: {  	[dreg:$0x0] =	wrdreg $0xFFFFFFFF;
	(pc) =	sbr.abs _section_cstart, $3  }
0xc0: {  	[dreg:$0x1] =	wrdreg $0xFFFFFFFF  }
0xc1: {  	_ =	task.clear_ibuf [dreg:s7], $0x2FFFF;
	_ =	strace $0x9FFFFFFF  }
0xc2: {  	(tm) =	ssettm $0x7FFFFFFF  }
0xc3: {  	_ =	shalt  }
tec
execute0_lowered:
.L_overlay_start_1:
0x0: {  	(tag) =	ssettag $0x1  }
0x1: {  	s1 =	srdreg.scid;
	s4 =	rddreg [dreg:$0x0]  }
0x2: {  	s0 =	stileid.u32;
	s11 =	rddreg [dreg:$0x1];
	s2 =	simm.s32 $0x0  }
0x3: {  	s17 =	simm.s32 $0x5400;
	s18 =	simm.s32 $0x9400;
	s19 =	simm.s32 $0x1  }
0x4: {  	s20 =	simm.s32 $0x4;
	s21 =	simm.s32 $0x2;
	s22 =	simm.s32 $0x5  }
0x5: {  	s23 =	simm.s32 $0x3;
	s10 =	sand.u32 $0x1, s1;
	s15 =	smul.u32 $0x1E000, s0  }
0x6: {  	s24 =	simm.s32 $0x6;
	s26 =	sshll.u32 s0, $0x1;
	s30 =	smul.u32 $0x6, s10  }
0x7: {  	s1 =	rddreg [dreg:$0x2];
	s5 =	sor.u32 s10, s26;
	s16 =	smul.u32 $0xF000, s10  }
0x8: {  	s25 =	simm.s32 $0x0;
	[smem:$0x7FF] =	sst s2;
	s3 =	smul.u32 $0x1E0, s5  }
0x9: {  	s14 =	sshll.u32 s0, $0x2;
	s28 =	ssub.s32 $0x2, s10;
	s7 =	smul.u32 $0x6, s5  }
0xa: {  	_ =	strace $0x80000047;
	s8 =	sshrl.u32 s28, $0x1;
	s9 =	smul.u32 $0x78000, s5  }
0xb: {  	s31 =	sadd.s32 s15, s11;
	s15 =	simm.s32 $0x80;
	s12 =	ssub.s32 s28, s8  }
0xc: {  	s14 =	ssub.s32 s30, s14;
	s6 =	sand.u32 $0x3F80, s3;
	s3 =	sadd.s32 $0x4000, s4  }
0xd: {  	s7 =	sand.u32 $0x6, s7;
	s29 =	sshrl.u32 s9, $0x3;
	s14 =	sshll.u32 s14, $0x7  }
0xe: {  	s4 =	sadd.s32 s6, s4;
	s5 =	sshll.u32 s7, $0x7;
	s13 =	sadd.s32 s11, s29  }
0xf: {  	s14 =	sand.u32 $0x300, s14;
	s11 =	smax.u32 s12, $0x1;
	s12 =	sadd.s32 s16, s31  }
0x10: {  	s16 =	simm.s32 $0x1400;
	s4 =	sadd.s32 $0x200, s4;
	s6 =	sor.u32 $0x80, s5  }
0x11: {  	s7 =	sadd.s32 $0x100, s5;
	s8 =	sadd.s32 $0xD800, s13;
	s9 =	sadd.s32 $0xE000, s13  }
0x12: {  	s10 =	sadd.s32 $0xE800, s13;
	s13 =	sadd.s32 $0x280, s14;
	s14 =	simm.s32 $0x7  }
.LBB2_1:
0x13: {  	[tilespmem:s2], [sflag:$0x7] =	stream.linear.gather [hbm4b:s4+s2], $0x1400, $0x38;
	[tilespmem:$0xD400] =	vst v63  }
0x14: {  	_ =	swait.ge [sflag:s14], $0x1400  }
0x15: {  	[sflag:s14] =	ssyncset.done $0x0  }
0x16: {  	[sflag:s14] =	ssyncadd.s32 $0xFFFFEC00  }
0x17: {  	[tilespmem:s16], [sflag:$0x1] =	stream.indirect.gather [hbm4b:s3+s15], $0x80, s5, s15, $0xb8;
	[tilespmem:$0xD400] =	vst v63  }
0x18: {  	_ = 	snop  }
0x19: {  	[tilespmem:s17], [sflag:$0x2] =	stream.indirect.gather [hbm4b:s3+s15], $0x80, s6, s15, $0xb8;
	[tilespmem:$0xD400] =	vst v63  }
0x1a: {  	_ = 	snop  }
0x1b: {  	[tilespmem:s18], [sflag:$0x3] =	stream.indirect.gather [hbm4b:s3+s15], $0x80, s7, s15, $0xb8;
	[tilespmem:$0xD400] =	vst v63  }
0x1c: {  	_ =	swait.ge [sflag:s19], $0x4000  }
0x1d: {  	[sflag:s19] =	ssyncset.done $0x0  }
0x1e: {  	s26 =	sadd.s32 $0x0, s12;
	[sflag:s19] =	ssyncadd.s32 $0xFFFFC000  }
0x1f: {  	[hbm4b:s26+s2] =	stream.linear.scatter [tilespmem:s16], [sflag:$0x4], $0x4000, $0x38;
	[tilespmem:$0xD400] =	vst v63  }
0x20: {  	_ =	swait.ge [sflag:s20], $0x4000  }
0x21: {  	[sflag:s20] =	ssyncset.done $0x0  }
0x22: {  	s28 =	sadd.s32 $0xFFFFFF00, s13;
	[sflag:s20] =	ssyncadd.s32 $0xFFFFC000  }
0x23: {  	[tilespmem:s16], [sflag:$0x1] =	stream.indirect.gather [hbm4b:s3+s15], $0x80, s28, s15, $0xb8;
	[tilespmem:$0xD400] =	vst v63  }
0x24: {  	_ =	swait.ge [sflag:s21], $0x4000  }
0x25: {  	[sflag:s21] =	ssyncset.done $0x0  }
0x26: {  	s28 =	sadd.s32 $0x800, s26;
	[sflag:s21] =	ssyncadd.s32 $0xFFFFC000  }
0x27: {  	[hbm4b:s28+s2] =	stream.linear.scatter [tilespmem:s17], [sflag:$0x5], $0x4000, $0x38;
	[tilespmem:$0xD400] =	vst v63  }
0x28: {  	_ =	swait.ge [sflag:s22], $0x4000  }
0x29: {  	[sflag:s22] =	ssyncset.done $0x0  }
0x2a: {  	s28 =	sadd.s32 $0xFFFFFF80, s13;
	[sflag:s22] =	ssyncadd.s32 $0xFFFFC000  }
0x2b: {  	[tilespmem:s17], [sflag:$0x2] =	stream.indirect.gather [hbm4b:s3+s15], $0x80, s28, s15, $0xb8;
	[tilespmem:$0xD400] =	vst v63  }
0x2c: {  	_ =	swait.ge [sflag:s23], $0x4000  }
0x2d: {  	[sflag:s23] =	ssyncset.done $0x0  }
0x2e: {  	s26 =	sadd.s32 $0x1000, s26;
	[sflag:s23] =	ssyncadd.s32 $0xFFFFC000  }
0x2f: {  	[hbm4b:s26+s2] =	stream.linear.scatter [tilespmem:s18], [sflag:$0x6], $0x4000, $0x38;
	[tilespmem:$0xD400] =	vst v63  }
0x30: {  	_ =	swait.ge [sflag:s24], $0x4000  }
0x31: {  	s29 =	smov.u32 s13;
	[sflag:s24] =	ssyncset.done $0x0  }
0x32: {  	s28 =	sadd.s32 $0x180, s13;
	s26 =	simm.s32 $0x1800;
	[sflag:s24] =	ssyncadd.s32 $0xFFFFC000  }
.LBB2_2:
0x33: {  	[tilespmem:s18], [sflag:$0x3] =	stream.indirect.gather [hbm4b:s3+s15], $0x80, s29, s15, $0xb8;
	[tilespmem:$0xD400] =	vst v63  }
0x34: {  	s30 =	smov.u32 s26;
	s29 =	smov.u32 s28  }
0x35: {  	p0 =	sne.s32 s26, $0xC000;
	s26 =	sadd.s32 $0x1800, s26;
	_ =	swait.ge [sflag:s19], $0x4000  }
0x36: {  	[sflag:s19] =	ssyncset.done $0x0  }
0x37: {  	s30 =	sadd.s32 s30, s12;
	[sflag:s19] =	ssyncadd.s32 $0xFFFFC000  }
0x38: {  	[hbm4b:s30+s2] =	stream.linear.scatter [tilespmem:s16], [sflag:$0x4], $0x4000, $0x38;
	[tilespmem:$0xD400] =	vst v63  }
0x39: {  	_ =	swait.ge [sflag:s20], $0x4000  }
0x3a: {  	[sflag:s20] =	ssyncset.done $0x0  }
0x3b: {  	s31 =	sadd.s32 $0xFFFFFF00, s28;
	[sflag:s20] =	ssyncadd.s32 $0xFFFFC000  }
0x3c: {  	[tilespmem:s16], [sflag:$0x1] =	stream.indirect.gather [hbm4b:s3+s15], $0x80, s31, s15, $0xb8;
	[tilespmem:$0xD400] =	vst v63  }
0x3d: {  	_ =	swait.ge [sflag:s21], $0x4000  }
0x3e: {  	[sflag:s21] =	ssyncset.done $0x0  }
0x3f: {  	s31 =	sadd.s32 $0x800, s30;
	[sflag:s21] =	ssyncadd.s32 $0xFFFFC000  }
0x40: {  	[hbm4b:s31+s2] =	stream.linear.scatter [tilespmem:s17], [sflag:$0x5], $0x4000, $0x38;
	[tilespmem:$0xD400] =	vst v63  }
0x41: {  	_ =	swait.ge [sflag:s22], $0x4000  }
0x42: {  	[sflag:s22] =	ssyncset.done $0x0  }
0x43: {  	s31 =	sadd.s32 $0xFFFFFF80, s28;
	[sflag:s22] =	ssyncadd.s32 $0xFFFFC000  }
0x44: {  	[tilespmem:s17], [sflag:$0x2] =	stream.indirect.gather [hbm4b:s3+s15], $0x80, s31, s15, $0xb8;
	[tilespmem:$0xD400] =	vst v63  }
0x45: {  	_ =	swait.ge [sflag:s23], $0x4000  }
0x46: {  	[sflag:s23] =	ssyncset.done $0x0  }
.Ltmp0:
0x47: {  	s30 =	sadd.s32 $0x1000, s30;
	[sflag:s23] =	ssyncadd.s32 $0xFFFFC000;
	(pc) =	sbr.rel @p0 .LBB2_2-.Ltmp0, $4  }
0x48: {  	[hbm4b:s30+s2] =	stream.linear.scatter [tilespmem:s18], [sflag:$0x6], $0x4000, $0x38;
	[tilespmem:$0xD400] =	vst v63  }
0x49: {  	_ =	swait.ge [sflag:s24], $0x4000  }
0x4a: {  	[sflag:s24] =	ssyncset.done $0x0  }
0x4b: {  	s28 =	sadd.s32 $0x180, s28;
	[sflag:s24] =	ssyncadd.s32 $0xFFFFC000  }
0x4c: {  	[tilespmem:s18], [sflag:$0x3] =	stream.indirect.gather [hbm4b:s3+s15], $0x80, s29, s15, $0xb8;
	[tilespmem:$0xD400] =	vst v63  }
0x4d: {  	_ =	swait.ge [sflag:s19], $0x4000  }
0x4e: {  	[sflag:s19] =	ssyncset.done $0x0  }
0x4f: {  	[sflag:s19] =	ssyncadd.s32 $0xFFFFC000  }
0x50: {  	[hbm4b:s8+s2] =	stream.linear.scatter [tilespmem:s16], [sflag:$0x4], $0x4000, $0x38;
	[tilespmem:$0xD400] =	vst v63  }
0x51: {  	_ =	swait.ge [sflag:s21], $0x4000  }
0x52: {  	[sflag:s21] =	ssyncset.done $0x0  }
0x53: {  	[sflag:s21] =	ssyncadd.s32 $0xFFFFC000  }
0x54: {  	[hbm4b:s9+s2] =	stream.linear.scatter [tilespmem:s17], [sflag:$0x5], $0x4000, $0x38;
	[tilespmem:$0xD400] =	vst v63  }
0x55: {  	_ =	swait.ge [sflag:s23], $0x4000  }
0x56: {  	[sflag:s23] =	ssyncset.done $0x0  }
0x57: {  	[sflag:s23] =	ssyncadd.s32 $0xFFFFC000  }
0x58: {  	[hbm4b:s10+s2] =	stream.linear.scatter [tilespmem:s18], [sflag:$0x6], $0x4000, $0x38;
	[tilespmem:$0xD400] =	vst v63  }
0x59: {  	_ =	swait.ge [sflag:s20], $0x4000  }
0x5a: {  	[sflag:s20] =	ssyncset.done $0x0  }
0x5b: {  	s25 =	sadd.s32 $0x1, s25;
	[sflag:s20] =	ssyncadd.s32 $0xFFFFC000  }
0x5c: {  	p0 =	sne.s32 s25, s11;
	_ =	swait.ge [sflag:s22], $0x4000  }
.Ltmp1:
0x5d: {  	[sflag:s22] =	ssyncset.done $0x0;
	(pc) =	sbr.rel @p0 .LBB2_1-.Ltmp1, $4  }
0x5e: {  	[sflag:s22] =	ssyncadd.s32 $0xFFFFC000  }
0x5f: {  	_ =	swait.ge [sflag:s24], $0x4000  }
0x60: {  	[sflag:s24] =	ssyncset.done $0x0  }
0x61: {  	[sflag:s24] =	ssyncadd.s32 $0xFFFFC000  }
0x62: {  	_ =	sfence.sel $0x180000  }
0x63: {  	[bflag:$0x0] =	sbarrier.arrive $0xFFFF  }
0x64: {  	p0 =	sne.s32 s0, $0x0;
	_ =	strace $0x90000047  }
0x65: {  	s0 =	sadd.s32 @!p0 $0x100000, s1;
	[bflag:$0x2] =	sbarrier.arrive $0xFFFF  }
0x66: {  	[sflag:s0] =	ssyncadd.tile.s32 @!p0 $0x1;
	_ =	shalt  }
.Lfunc_end2:
_tile_overlayer_lowered:
.L_overlay_start_2:
0x67: {  	(tag) =	ssettag $0x2  }
0x68: {  	s0 =	rddreg [dreg:$0x0];
	s2 =	stileid.u32  }
0x69: {  	s1 =	rddreg [dreg:$0x1];
	p0 =	sne.s32 s2, $0x0  }
0x6a: {  	s3 =	rddreg [dreg:$0x2];
	[bflag:$0x3] =	sbarrier.arrive $0xFFFF;
	s2 =	simm.s32 @!p0 $0x1C07  }
0x6b: {  	[timem:s3], [sflag:s2] =	dma.local @!p0 [hbm:s0], s1  }
0x6c: {  	s0 =	simm.s32 @!p0 $0x7  }
0x6d: {  	_ =	swait.ge @!p0 [sflag:s0], s1  }
0x6e: {  	s1 =	ssub.s32 @!p0 $0x0, s1;
	[sflag:s0] =	ssyncset.done @!p0 $0x0  }
0x6f: {  	[sflag:s0] =	ssyncadd.s32 @!p0 s1  }
0x70: {  	[bflag:$0x3] =	sbarrier.arrive $0xFFFF  }
0x71: {  	_ =	shalt  }

</sc_bundles>
